<compile_context>
chip_gen: v7x
topology: tpu7x:2x2x1
jax: 0.10.2.dev20260603
libtpu: 0.0.44.dev20260713+nightly
codegen_flags: <defaults>
</compile_context>

<pallas_src>
import jax
import jax.numpy as jnp
import numpy as np
from jax.experimental import pallas as pl
from jax.experimental.pallas import tpu as pltpu

N = 10000
K = 32
FEAT = 128
H1, H2 = 64, 32
NUM_CLASS = 40
ALPHA = 0.1
BN = 200

_EPS2 = 1e-24


def _body(x_ref, nb_ref, w1_ref, b1_ref, w2_ref, b2_ref, wc_ref, bc_ref,
          ones_ref, onesr_ref, out_ref, km_ref):
    f32 = jnp.float32
    one_m_a = f32(1.0 - ALPHA)

    nb = nb_ref[...]
    w1 = w1_ref[...]
    w2 = w2_ref[...]
    b1 = b1_ref[...]
    b2 = b2_ref[...]

    nrm2 = jnp.dot(nb * nb, ones_ref[...],
                   preferred_element_type=f32)
    inv = jax.lax.rsqrt(jnp.maximum(nrm2, _EPS2))
    invrep = jnp.dot(inv, onesr_ref[...],
                     preferred_element_type=f32)
    nbs = nb * invrep

    for k in range(K):
        km_ref[k * BN:(k + 1) * BN, :] = nbs[:, k * FEAT:(k + 1) * FEAT]
    km = km_ref[...]

    nbh = jnp.dot(km, w1, preferred_element_type=f32) + b1
    u3 = nbh.reshape(K, BN, H1)
    s1 = jnp.sum(u3, axis=0)
    r1 = jnp.sum(jnp.maximum(u3, 0.0), axis=0)
    nb2 = jnp.dot(nbh, w2, preferred_element_type=f32) + b2
    v3 = nb2.reshape(K, BN, H2)
    s2 = jnp.sum(v3, axis=0)
    r2 = jnp.sum(jnp.maximum(v3, 0.0), axis=0)

    xb = x_ref[...]
    xinv = jax.lax.rsqrt(jnp.maximum(jnp.sum(xb * xb, axis=1, keepdims=True),
                                     _EPS2))
    h = jnp.dot(xb, w1, preferred_element_type=f32) * xinv + b1
    x1 = jnp.maximum(h + one_m_a * s1, 0.0)
    x2 = one_m_a * (x1 + r1) + f32(ALPHA) * h
    h2 = jnp.dot(x2, w2, preferred_element_type=f32) + b2
    x3 = jnp.maximum(h2 + one_m_a * s2, 0.0)
    x4 = one_m_a * (x3 + r2) + f32(ALPHA) * h2
    out_ref[...] = (jnp.dot(x4, wc_ref[...], preferred_element_type=f32)
                    + bc_ref[...])


def kernel(x, neighbor, W1, b1, W2, b2, Wc, bc):
    nb_flat = neighbor.reshape(N, K * FEAT)
    w1t = W1.T
    w2t = W2.T
    wct = Wc.T
    b1r = b1.reshape(1, H1)
    b2r = b2.reshape(1, H2)
    bcr = bc.reshape(1, NUM_CLASS)
    eye = np.eye(K, dtype=np.float32)
    ones_blk = jnp.asarray(np.repeat(eye, FEAT, axis=0))
    ones_rep = jnp.asarray(np.repeat(eye, FEAT, axis=1))

    grid = (N // BN,)
    rep = lambda i: (0, 0)
    out = pl.pallas_call(
        _body,
        grid=grid,
        in_specs=[
            pl.BlockSpec((BN, FEAT), lambda i: (i, 0)),
            pl.BlockSpec((BN, K * FEAT), lambda i: (i, 0)),
            pl.BlockSpec((FEAT, H1), rep),
            pl.BlockSpec((1, H1), rep),
            pl.BlockSpec((H1, H2), rep),
            pl.BlockSpec((1, H2), rep),
            pl.BlockSpec((H2, NUM_CLASS), rep),
            pl.BlockSpec((1, NUM_CLASS), rep),
            pl.BlockSpec((K * FEAT, K), rep),
            pl.BlockSpec((K, K * FEAT), rep),
        ],
        out_specs=pl.BlockSpec((BN, NUM_CLASS), lambda i: (i, 0)),
        out_shape=jax.ShapeDtypeStruct((N, NUM_CLASS), jnp.float32),
        scratch_shapes=[pltpu.VMEM((K * BN, FEAT), jnp.float32)],
        compiler_params=pltpu.CompilerParams(
            dimension_semantics=("arbitrary",)),
    )(x, nb_flat, w1t, b1r, w2t, b2r, wct, bcr, ones_blk, ones_rep)
    return out

# --- scband reference (transcript-rebuilt; emitter-appended) ---
"""Pipeline reference for scband-app-81192061764217 (READ-ONLY COPY).

The authoritative reference and input builder live on the scoring server;
editing this copy changes nothing except your own understanding.
"""

import jax, jax.numpy as jnp
import numpy as np

N = 10000
K = 32
FEAT = 128
H1, H2 = 64, 32
NUM_CLASS = 40
ALPHA = 0.1

def l2normalize(a, axis=-1, eps=1e-12):
    n = jnp.linalg.norm(a, ord=2, axis=axis, keepdims=True)
    return a / jnp.maximum(n, eps)

def _linear_params(k, fan_in, fan_out):
    kw, kb = jax.random.split(k)
    bound = 1.0 / np.sqrt(fan_in)
    W = jax.random.uniform(kw, (fan_out, fan_in), minval=-bound, maxval=bound, dtype=jnp.float32)
    b = jax.random.uniform(kb, (fan_out,), minval=-bound, maxval=bound, dtype=jnp.float32)
    return W, b

def setup_inputs(seed: int = 0) -> dict:
    key = jax.random.key(seed)
    ks = jax.random.split(key, 5)
    x = jax.random.normal(ks[0], (N, FEAT), dtype=jnp.float32)
    neighbor = jax.random.normal(ks[1], (N, K, FEAT), dtype=jnp.float32)
    W1, b1 = _linear_params(ks[2], FEAT, H1)
    W2, b2 = _linear_params(ks[3], H1, H2)
    Wc, bc = _linear_params(ks[4], H2, NUM_CLASS)
    return {"x": x, "neighbor": neighbor, "W1": W1, "b1": b1, "W2": W2, "b2": b2, "Wc": Wc, "bc": bc}

def reference(x, neighbor, W1, b1, W2, b2, Wc, bc):
    # F.normalize with default dim=1 equals last-axis L2 norm for 2D x and for each [K,FEAT] neighbor slice
    xn = l2normalize(x)
    nb = l2normalize(neighbor)
    # tran1 on x and every neighbor
    h = xn @ W1.T + b1                      # [N, H1]
    nbh = nb @ W1.T + b1                    # [N, K, H1]
    # app1: sum_aggregation(h, nbh) then APPNP mix; returns 4th arg (nbh) as neighbor_agg
    x1 = (1.0 - ALPHA) * (h + nbh.sum(axis=1)) + ALPHA * h
    # acvt (ReLU, dropout p=0 -> identity)
    x1 = jax.nn.relu(x1)
    nbr = jax.nn.relu(nbh)
    # app2: aggregate activated neighbors, mix with h; returns original nbh as neighbor
    x2 = (1.0 - ALPHA) * (x1 + nbr.sum(axis=1)) + ALPHA * h
    # tran2
    h2 = x2 @ W2.T + b2                     # [N, H2]
    nb2 = nbh @ W2.T + b2                   # [N, K, H2]
    # app1 again
    x3 = (1.0 - ALPHA) * (h2 + nb2.sum(axis=1)) + ALPHA * h2
    x3 = jax.nn.relu(x3)
    nb2r = jax.nn.relu(nb2)
    # app2 again
    x4 = (1.0 - ALPHA) * (x3 + nb2r.sum(axis=1)) + ALPHA * h2
    out = x4 @ Wc.T + bc                    # [N, NUM_CLASS]; .squeeze(1) is a no-op for 2D
    return out

if __name__ == "__main__":
    import jax
    _d = setup_inputs()
    print(jax.jit(kernel)(*tuple(_d.values())))

</pallas_src>

<mosaic_0001>
module attributes {stable_mosaic.version = 14 : i64} {
  func.func @_body(%arg0: i32, %arg1: memref<200x128xf32, #tpu.memory_space<vmem>>, %arg2: memref<200x4096xf32, #tpu.memory_space<vmem>>, %arg3: memref<128x64xf32, #tpu.memory_space<vmem>>, %arg4: memref<1x64xf32, #tpu.memory_space<vmem>>, %arg5: memref<64x32xf32, #tpu.memory_space<vmem>>, %arg6: memref<1x32xf32, #tpu.memory_space<vmem>>, %arg7: memref<32x40xf32, #tpu.memory_space<vmem>>, %arg8: memref<1x40xf32, #tpu.memory_space<vmem>>, %arg9: memref<4096x32xf32, #tpu.memory_space<vmem>>, %arg10: memref<32x4096xf32, #tpu.memory_space<vmem>>, %arg11: memref<200x40xf32, #tpu.memory_space<vmem>>, %arg12: memref<6400x128xf32, #tpu.memory_space<vmem>>) attributes {dimension_semantics = [#tpu.dimension_semantics<arbitrary>], iteration_bounds = array<i64: 50>, scalar_prefetch = 0 : i64, scratch_operands = 1 : i64, tpu.core_type = #tpu.core_type<tc>, window_params = [{transform_indices = @transform_0, window_bounds = array<i64: 200, 128>}, {transform_indices = @transform_1, window_bounds = array<i64: 200, 4096>}, {pipeline_mode = #tpu.pipeline_mode<synchronous>, transform_indices = @transform_2, window_bounds = array<i64: 128, 64>}, {pipeline_mode = #tpu.pipeline_mode<synchronous>, transform_indices = @transform_3, window_bounds = array<i64: 1, 64>}, {pipeline_mode = #tpu.pipeline_mode<synchronous>, transform_indices = @transform_4, window_bounds = array<i64: 64, 32>}, {pipeline_mode = #tpu.pipeline_mode<synchronous>, transform_indices = @transform_5, window_bounds = array<i64: 1, 32>}, {pipeline_mode = #tpu.pipeline_mode<synchronous>, transform_indices = @transform_6, window_bounds = array<i64: 32, 40>}, {pipeline_mode = #tpu.pipeline_mode<synchronous>, transform_indices = @transform_7, window_bounds = array<i64: 1, 40>}, {pipeline_mode = #tpu.pipeline_mode<synchronous>, transform_indices = @transform_8, window_bounds = array<i64: 4096, 32>}, {pipeline_mode = #tpu.pipeline_mode<synchronous>, transform_indices = @transform_9, window_bounds = array<i64: 32, 4096>}, {transform_indices = @transform_10, window_bounds = array<i64: 200, 40>}]} {
    %get3A = arith.constant 0 : index
    %get3A_0 = arith.constant 0 : index
    %get3A_1 = vector.load %arg2[%get3A, %get3A_0] : memref<200x4096xf32, #tpu.memory_space<vmem>>, vector<200x4096xf32>
    %get3A_2 = arith.constant 0 : index
    %get3A_3 = arith.constant 0 : index
    %get3A_4 = vector.load %arg3[%get3A_2, %get3A_3] : memref<128x64xf32, #tpu.memory_space<vmem>>, vector<128x64xf32>
    %get3A_5 = arith.constant 0 : index
    %get3A_6 = arith.constant 0 : index
    %get3A_7 = vector.load %arg5[%get3A_5, %get3A_6] : memref<64x32xf32, #tpu.memory_space<vmem>>, vector<64x32xf32>
    %get3A_8 = arith.constant 0 : index
    %get3A_9 = arith.constant 0 : index
    %get3A_10 = vector.load %arg4[%get3A_8, %get3A_9] : memref<1x64xf32, #tpu.memory_space<vmem>>, vector<1x64xf32>
    %get3A_11 = arith.constant 0 : index
    %get3A_12 = arith.constant 0 : index
    %get3A_13 = vector.load %arg6[%get3A_11, %get3A_12] : memref<1x32xf32, #tpu.memory_space<vmem>>, vector<1x32xf32>
    %mul3A = arith.mulf %get3A_1, %get3A_1 : vector<200x4096xf32>
    %get3A_14 = arith.constant 0 : index
    %get3A_15 = arith.constant 0 : index
    %get3A_16 = vector.load %arg9[%get3A_14, %get3A_15] : memref<4096x32xf32, #tpu.memory_space<vmem>>, vector<4096x32xf32>
    %dot_general3A = arith.constant dense<0.000000e+00> : vector<200x32xf32>
    %dot_general3A_17 = tpu.matmul %mul3A, %get3A_16, %dot_general3A {dimension_numbers = #tpu.dot_dimension_numbers<[1], [0], [0], [1], [0, 0, 1, 1], [], []>, transpose_lhs_hint = false} : vector<200x4096xf32>, vector<4096x32xf32>, vector<200x32xf32> -> vector<200x32xf32>
    %max3A = arith.constant 1.000000e-24 : f32
    %max3A_18 = vector.broadcast %max3A : f32 to vector<200x32xf32>
    %max3A_19 = arith.maximumf %dot_general3A_17, %max3A_18 : vector<200x32xf32>
    %rsqrt3A = math.rsqrt %max3A_19 : vector<200x32xf32>
    %get3A_20 = arith.constant 0 : index
    %get3A_21 = arith.constant 0 : index
    %get3A_22 = vector.load %arg10[%get3A_20, %get3A_21] : memref<32x4096xf32, #tpu.memory_space<vmem>>, vector<32x4096xf32>
    %dot_general3A_23 = arith.constant dense<0.000000e+00> : vector<200x4096xf32>
    %dot_general3A_24 = tpu.matmul %rsqrt3A, %get3A_22, %dot_general3A_23 {dimension_numbers = #tpu.dot_dimension_numbers<[1], [0], [0], [1], [0, 0, 1, 1], [], []>, transpose_lhs_hint = false} : vector<200x32xf32>, vector<32x4096xf32>, vector<200x4096xf32> -> vector<200x4096xf32>
    %mul3A_25 = arith.mulf %get3A_1, %dot_general3A_24 : vector<200x4096xf32>
    %slice3A = vector.extract_strided_slice %mul3A_25 {offsets = [0, 0], sizes = [200, 128], strides = [1, 1]} : vector<200x4096xf32> to vector<200x128xf32>
    %swap3A = arith.constant 0 : index
    %swap3A_26 = arith.constant 0 : index
    %swap3A_27 = vector.load %arg12[%swap3A, %swap3A_26] : memref<6400x128xf32, #tpu.memory_space<vmem>>, vector<200x128xf32>
    tpu.vector_store %arg12[%swap3A, %swap3A_26], %slice3A {strides = array<i32>} : memref<6400x128xf32, #tpu.memory_space<vmem>>, vector<200x128xf32>,
    %slice3A_28 = vector.extract_strided_slice %mul3A_25 {offsets = [0, 128], sizes = [200, 128], strides = [1, 1]} : vector<200x4096xf32> to vector<200x128xf32>
    %swap3A_29 = arith.constant 200 : index
    %swap3A_30 = arith.constant 0 : index
    %swap3A_31 = vector.load %arg12[%swap3A_29, %swap3A_30] : memref<6400x128xf32, #tpu.memory_space<vmem>>, vector<200x128xf32>
    tpu.vector_store %arg12[%swap3A_29, %swap3A_30], %slice3A_28 {strides = array<i32>} : memref<6400x128xf32, #tpu.memory_space<vmem>>, vector<200x128xf32>,
    %slice3A_32 = vector.extract_strided_slice %mul3A_25 {offsets = [0, 256], sizes = [200, 128], strides = [1, 1]} : vector<200x4096xf32> to vector<200x128xf32>
    %swap3A_33 = arith.constant 400 : index
    %swap3A_34 = arith.constant 0 : index
    %swap3A_35 = vector.load %arg12[%swap3A_33, %swap3A_34] : memref<6400x128xf32, #tpu.memory_space<vmem>>, vector<200x128xf32>
    tpu.vector_store %arg12[%swap3A_33, %swap3A_34], %slice3A_32 {strides = array<i32>} : memref<6400x128xf32, #tpu.memory_space<vmem>>, vector<200x128xf32>,
    %slice3A_36 = vector.extract_strided_slice %mul3A_25 {offsets = [0, 384], sizes = [200, 128], strides = [1, 1]} : vector<200x4096xf32> to vector<200x128xf32>
    %swap3A_37 = arith.constant 600 : index
    %swap3A_38 = arith.constant 0 : index
    %swap3A_39 = vector.load %arg12[%swap3A_37, %swap3A_38] : memref<6400x128xf32, #tpu.memory_space<vmem>>, vector<200x128xf32>
    tpu.vector_store %arg12[%swap3A_37, %swap3A_38], %slice3A_36 {strides = array<i32>} : memref<6400x128xf32, #tpu.memory_space<vmem>>, vector<200x128xf32>,
    %slice3A_40 = vector.extract_strided_slice %mul3A_25 {offsets = [0, 512], sizes = [200, 128], strides = [1, 1]} : vector<200x4096xf32> to vector<200x128xf32>
    %swap3A_41 = arith.constant 800 : index
    %swap3A_42 = arith.constant 0 : index
    %swap3A_43 = vector.load %arg12[%swap3A_41, %swap3A_42] : memref<6400x128xf32, #tpu.memory_space<vmem>>, vector<200x128xf32>
    tpu.vector_store %arg12[%swap3A_41, %swap3A_42], %slice3A_40 {strides = array<i32>} : memref<6400x128xf32, #tpu.memory_space<vmem>>, vector<200x128xf32>,
    %slice3A_44 = vector.extract_strided_slice %mul3A_25 {offsets = [0, 640], sizes = [200, 128], strides = [1, 1]} : vector<200x4096xf32> to vector<200x128xf32>
    %swap3A_45 = arith.constant 1000 : index
    %swap3A_46 = arith.constant 0 : index
    %swap3A_47 = vector.load %arg12[%swap3A_45, %swap3A_46] : memref<6400x128xf32, #tpu.memory_space<vmem>>, vector<200x128xf32>
    tpu.vector_store %arg12[%swap3A_45, %swap3A_46], %slice3A_44 {strides = array<i32>} : memref<6400x128xf32, #tpu.memory_space<vmem>>, vector<200x128xf32>,
    %slice3A_48 = vector.extract_strided_slice %mul3A_25 {offsets = [0, 768], sizes = [200, 128], strides = [1, 1]} : vector<200x4096xf32> to vector<200x128xf32>
    %swap3A_49 = arith.constant 1200 : index
    %swap3A_50 = arith.constant 0 : index
    %swap3A_51 = vector.load %arg12[%swap3A_49, %swap3A_50] : memref<6400x128xf32, #tpu.memory_space<vmem>>, vector<200x128xf32>
    tpu.vector_store %arg12[%swap3A_49, %swap3A_50], %slice3A_48 {strides = array<i32>} : memref<6400x128xf32, #tpu.memory_space<vmem>>, vector<200x128xf32>,
    %slice3A_52 = vector.extract_strided_slice %mul3A_25 {offsets = [0, 896], sizes = [200, 128], strides = [1, 1]} : vector<200x4096xf32> to vector<200x128xf32>
    %swap3A_53 = arith.constant 1400 : index
    %swap3A_54 = arith.constant 0 : index
    %swap3A_55 = vector.load %arg12[%swap3A_53, %swap3A_54] : memref<6400x128xf32, #tpu.memory_space<vmem>>, vector<200x128xf32>
    tpu.vector_store %arg12[%swap3A_53, %swap3A_54], %slice3A_52 {strides = array<i32>} : memref<6400x128xf32, #tpu.memory_space<vmem>>, vector<200x128xf32>,
    %slice3A_56 = vector.extract_strided_slice %mul3A_25 {offsets = [0, 1024], sizes = [200, 128], strides = [1, 1]} : vector<200x4096xf32> to vector<200x128xf32>
    %swap3A_57 = arith.constant 1600 : index
    %swap3A_58 = arith.constant 0 : index
    %swap3A_59 = vector.load %arg12[%swap3A_57, %swap3A_58] : memref<6400x128xf32, #tpu.memory_space<vmem>>, vector<200x128xf32>
    tpu.vector_store %arg12[%swap3A_57, %swap3A_58], %slice3A_56 {strides = array<i32>} : memref<6400x128xf32, #tpu.memory_space<vmem>>, vector<200x128xf32>,
    %slice3A_60 = vector.extract_strided_slice %mul3A_25 {offsets = [0, 1152], sizes = [200, 128], strides = [1, 1]} : vector<200x4096xf32> to vector<200x128xf32>
    %swap3A_61 = arith.constant 1800 : index
    %swap3A_62 = arith.constant 0 : index
    %swap3A_63 = vector.load %arg12[%swap3A_61, %swap3A_62] : memref<6400x128xf32, #tpu.memory_space<vmem>>, vector<200x128xf32>
    tpu.vector_store %arg12[%swap3A_61, %swap3A_62], %slice3A_60 {strides = array<i32>} : memref<6400x128xf32, #tpu.memory_space<vmem>>, vector<200x128xf32>,
    %slice3A_64 = vector.extract_strided_slice %mul3A_25 {offsets = [0, 1280], sizes = [200, 128], strides = [1, 1]} : vector<200x4096xf32> to vector<200x128xf32>
    %swap3A_65 = arith.constant 2000 : index
    %swap3A_66 = arith.constant 0 : index
    %swap3A_67 = vector.load %arg12[%swap3A_65, %swap3A_66] : memref<6400x128xf32, #tpu.memory_space<vmem>>, vector<200x128xf32>
    tpu.vector_store %arg12[%swap3A_65, %swap3A_66], %slice3A_64 {strides = array<i32>} : memref<6400x128xf32, #tpu.memory_space<vmem>>, vector<200x128xf32>,
    %slice3A_68 = vector.extract_strided_slice %mul3A_25 {offsets = [0, 1408], sizes = [200, 128], strides = [1, 1]} : vector<200x4096xf32> to vector<200x128xf32>
    %swap3A_69 = arith.constant 2200 : index
    %swap3A_70 = arith.constant 0 : index
    %swap3A_71 = vector.load %arg12[%swap3A_69, %swap3A_70] : memref<6400x128xf32, #tpu.memory_space<vmem>>, vector<200x128xf32>
    tpu.vector_store %arg12[%swap3A_69, %swap3A_70], %slice3A_68 {strides = array<i32>} : memref<6400x128xf32, #tpu.memory_space<vmem>>, vector<200x128xf32>,
    %slice3A_72 = vector.extract_strided_slice %mul3A_25 {offsets = [0, 1536], sizes = [200, 128], strides = [1, 1]} : vector<200x4096xf32> to vector<200x128xf32>
    %swap3A_73 = arith.constant 2400 : index
    %swap3A_74 = arith.constant 0 : index
    %swap3A_75 = vector.load %arg12[%swap3A_73, %swap3A_74] : memref<6400x128xf32, #tpu.memory_space<vmem>>, vector<200x128xf32>
    tpu.vector_store %arg12[%swap3A_73, %swap3A_74], %slice3A_72 {strides = array<i32>} : memref<6400x128xf32, #tpu.memory_space<vmem>>, vector<200x128xf32>,
    %slice3A_76 = vector.extract_strided_slice %mul3A_25 {offsets = [0, 1664], sizes = [200, 128], strides = [1, 1]} : vector<200x4096xf32> to vector<200x128xf32>
    %swap3A_77 = arith.constant 2600 : index
    %swap3A_78 = arith.constant 0 : index
    %swap3A_79 = vector.load %arg12[%swap3A_77, %swap3A_78] : memref<6400x128xf32, #tpu.memory_space<vmem>>, vector<200x128xf32>
    tpu.vector_store %arg12[%swap3A_77, %swap3A_78], %slice3A_76 {strides = array<i32>} : memref<6400x128xf32, #tpu.memory_space<vmem>>, vector<200x128xf32>,
    %slice3A_80 = vector.extract_strided_slice %mul3A_25 {offsets = [0, 1792], sizes = [200, 128], strides = [1, 1]} : vector<200x4096xf32> to vector<200x128xf32>
    %swap3A_81 = arith.constant 2800 : index
    %swap3A_82 = arith.constant 0 : index
    %swap3A_83 = vector.load %arg12[%swap3A_81, %swap3A_82] : memref<6400x128xf32, #tpu.memory_space<vmem>>, vector<200x128xf32>
    tpu.vector_store %arg12[%swap3A_81, %swap3A_82], %slice3A_80 {strides = array<i32>} : memref<6400x128xf32, #tpu.memory_space<vmem>>, vector<200x128xf32>,
    %slice3A_84 = vector.extract_strided_slice %mul3A_25 {offsets = [0, 1920], sizes = [200, 128], strides = [1, 1]} : vector<200x4096xf32> to vector<200x128xf32>
    %swap3A_85 = arith.constant 3000 : index
    %swap3A_86 = arith.constant 0 : index
    %swap3A_87 = vector.load %arg12[%swap3A_85, %swap3A_86] : memref<6400x128xf32, #tpu.memory_space<vmem>>, vector<200x128xf32>
    tpu.vector_store %arg12[%swap3A_85, %swap3A_86], %slice3A_84 {strides = array<i32>} : memref<6400x128xf32, #tpu.memory_space<vmem>>, vector<200x128xf32>,
    %slice3A_88 = vector.extract_strided_slice %mul3A_25 {offsets = [0, 2048], sizes = [200, 128], strides = [1, 1]} : vector<200x4096xf32> to vector<200x128xf32>
    %swap3A_89 = arith.constant 3200 : index
    %swap3A_90 = arith.constant 0 : index
    %swap3A_91 = vector.load %arg12[%swap3A_89, %swap3A_90] : memref<6400x128xf32, #tpu.memory_space<vmem>>, vector<200x128xf32>
    tpu.vector_store %arg12[%swap3A_89, %swap3A_90], %slice3A_88 {strides = array<i32>} : memref<6400x128xf32, #tpu.memory_space<vmem>>, vector<200x128xf32>,
    %slice3A_92 = vector.extract_strided_slice %mul3A_25 {offsets = [0, 2176], sizes = [200, 128], strides = [1, 1]} : vector<200x4096xf32> to vector<200x128xf32>
    %swap3A_93 = arith.constant 3400 : index
    %swap3A_94 = arith.constant 0 : index
    %swap3A_95 = vector.load %arg12[%swap3A_93, %swap3A_94] : memref<6400x128xf32, #tpu.memory_space<vmem>>, vector<200x128xf32>
    tpu.vector_store %arg12[%swap3A_93, %swap3A_94], %slice3A_92 {strides = array<i32>} : memref<6400x128xf32, #tpu.memory_space<vmem>>, vector<200x128xf32>,
    %slice3A_96 = vector.extract_strided_slice %mul3A_25 {offsets = [0, 2304], sizes = [200, 128], strides = [1, 1]} : vector<200x4096xf32> to vector<200x128xf32>
    %swap3A_97 = arith.constant 3600 : index
    %swap3A_98 = arith.constant 0 : index
    %swap3A_99 = vector.load %arg12[%swap3A_97, %swap3A_98] : memref<6400x128xf32, #tpu.memory_space<vmem>>, vector<200x128xf32>
    tpu.vector_store %arg12[%swap3A_97, %swap3A_98], %slice3A_96 {strides = array<i32>} : memref<6400x128xf32, #tpu.memory_space<vmem>>, vector<200x128xf32>,
    %slice3A_100 = vector.extract_strided_slice %mul3A_25 {offsets = [0, 2432], sizes = [200, 128], strides = [1, 1]} : vector<200x4096xf32> to vector<200x128xf32>
    %swap3A_101 = arith.constant 3800 : index
    %swap3A_102 = arith.constant 0 : index
    %swap3A_103 = vector.load %arg12[%swap3A_101, %swap3A_102] : memref<6400x128xf32, #tpu.memory_space<vmem>>, vector<200x128xf32>
    tpu.vector_store %arg12[%swap3A_101, %swap3A_102], %slice3A_100 {strides = array<i32>} : memref<6400x128xf32, #tpu.memory_space<vmem>>, vector<200x128xf32>,
    %slice3A_104 = vector.extract_strided_slice %mul3A_25 {offsets = [0, 2560], sizes = [200, 128], strides = [1, 1]} : vector<200x4096xf32> to vector<200x128xf32>
    %swap3A_105 = arith.constant 4000 : index
    %swap3A_106 = arith.constant 0 : index
    %swap3A_107 = vector.load %arg12[%swap3A_105, %swap3A_106] : memref<6400x128xf32, #tpu.memory_space<vmem>>, vector<200x128xf32>
    tpu.vector_store %arg12[%swap3A_105, %swap3A_106], %slice3A_104 {strides = array<i32>} : memref<6400x128xf32, #tpu.memory_space<vmem>>, vector<200x128xf32>,
    %slice3A_108 = vector.extract_strided_slice %mul3A_25 {offsets = [0, 2688], sizes = [200, 128], strides = [1, 1]} : vector<200x4096xf32> to vector<200x128xf32>
    %swap3A_109 = arith.constant 4200 : index
    %swap3A_110 = arith.constant 0 : index
    %swap3A_111 = vector.load %arg12[%swap3A_109, %swap3A_110] : memref<6400x128xf32, #tpu.memory_space<vmem>>, vector<200x128xf32>
    tpu.vector_store %arg12[%swap3A_109, %swap3A_110], %slice3A_108 {strides = array<i32>} : memref<6400x128xf32, #tpu.memory_space<vmem>>, vector<200x128xf32>,
    %slice3A_112 = vector.extract_strided_slice %mul3A_25 {offsets = [0, 2816], sizes = [200, 128], strides = [1, 1]} : vector<200x4096xf32> to vector<200x128xf32>
    %swap3A_113 = arith.constant 4400 : index
    %swap3A_114 = arith.constant 0 : index
    %swap3A_115 = vector.load %arg12[%swap3A_113, %swap3A_114] : memref<6400x128xf32, #tpu.memory_space<vmem>>, vector<200x128xf32>
    tpu.vector_store %arg12[%swap3A_113, %swap3A_114], %slice3A_112 {strides = array<i32>} : memref<6400x128xf32, #tpu.memory_space<vmem>>, vector<200x128xf32>,
    %slice3A_116 = vector.extract_strided_slice %mul3A_25 {offsets = [0, 2944], sizes = [200, 128], strides = [1, 1]} : vector<200x4096xf32> to vector<200x128xf32>
    %swap3A_117 = arith.constant 4600 : index
    %swap3A_118 = arith.constant 0 : index
    %swap3A_119 = vector.load %arg12[%swap3A_117, %swap3A_118] : memref<6400x128xf32, #tpu.memory_space<vmem>>, vector<200x128xf32>
    tpu.vector_store %arg12[%swap3A_117, %swap3A_118], %slice3A_116 {strides = array<i32>} : memref<6400x128xf32, #tpu.memory_space<vmem>>, vector<200x128xf32>,
    %slice3A_120 = vector.extract_strided_slice %mul3A_25 {offsets = [0, 3072], sizes = [200, 128], strides = [1, 1]} : vector<200x4096xf32> to vector<200x128xf32>
    %swap3A_121 = arith.constant 4800 : index
    %swap3A_122 = arith.constant 0 : index
    %swap3A_123 = vector.load %arg12[%swap3A_121, %swap3A_122] : memref<6400x128xf32, #tpu.memory_space<vmem>>, vector<200x128xf32>
    tpu.vector_store %arg12[%swap3A_121, %swap3A_122], %slice3A_120 {strides = array<i32>} : memref<6400x128xf32, #tpu.memory_space<vmem>>, vector<200x128xf32>,
    %slice3A_124 = vector.extract_strided_slice %mul3A_25 {offsets = [0, 3200], sizes = [200, 128], strides = [1, 1]} : vector<200x4096xf32> to vector<200x128xf32>
    %swap3A_125 = arith.constant 5000 : index
    %swap3A_126 = arith.constant 0 : index
    %swap3A_127 = vector.load %arg12[%swap3A_125, %swap3A_126] : memref<6400x128xf32, #tpu.memory_space<vmem>>, vector<200x128xf32>
    tpu.vector_store %arg12[%swap3A_125, %swap3A_126], %slice3A_124 {strides = array<i32>} : memref<6400x128xf32, #tpu.memory_space<vmem>>, vector<200x128xf32>,
    %slice3A_128 = vector.extract_strided_slice %mul3A_25 {offsets = [0, 3328], sizes = [200, 128], strides = [1, 1]} : vector<200x4096xf32> to vector<200x128xf32>
    %swap3A_129 = arith.constant 5200 : index
    %swap3A_130 = arith.constant 0 : index
    %swap3A_131 = vector.load %arg12[%swap3A_129, %swap3A_130] : memref<6400x128xf32, #tpu.memory_space<vmem>>, vector<200x128xf32>
    tpu.vector_store %arg12[%swap3A_129, %swap3A_130], %slice3A_128 {strides = array<i32>} : memref<6400x128xf32, #tpu.memory_space<vmem>>, vector<200x128xf32>,
    %slice3A_132 = vector.extract_strided_slice %mul3A_25 {offsets = [0, 3456], sizes = [200, 128], strides = [1, 1]} : vector<200x4096xf32> to vector<200x128xf32>
    %swap3A_133 = arith.constant 5400 : index
    %swap3A_134 = arith.constant 0 : index
    %swap3A_135 = vector.load %arg12[%swap3A_133, %swap3A_134] : memref<6400x128xf32, #tpu.memory_space<vmem>>, vector<200x128xf32>
    tpu.vector_store %arg12[%swap3A_133, %swap3A_134], %slice3A_132 {strides = array<i32>} : memref<6400x128xf32, #tpu.memory_space<vmem>>, vector<200x128xf32>,
    %slice3A_136 = vector.extract_strided_slice %mul3A_25 {offsets = [0, 3584], sizes = [200, 128], strides = [1, 1]} : vector<200x4096xf32> to vector<200x128xf32>
    %swap3A_137 = arith.constant 5600 : index
    %swap3A_138 = arith.constant 0 : index
    %swap3A_139 = vector.load %arg12[%swap3A_137, %swap3A_138] : memref<6400x128xf32, #tpu.memory_space<vmem>>, vector<200x128xf32>
    tpu.vector_store %arg12[%swap3A_137, %swap3A_138], %slice3A_136 {strides = array<i32>} : memref<6400x128xf32, #tpu.memory_space<vmem>>, vector<200x128xf32>,
    %slice3A_140 = vector.extract_strided_slice %mul3A_25 {offsets = [0, 3712], sizes = [200, 128], strides = [1, 1]} : vector<200x4096xf32> to vector<200x128xf32>
    %swap3A_141 = arith.constant 5800 : index
    %swap3A_142 = arith.constant 0 : index
    %swap3A_143 = vector.load %arg12[%swap3A_141, %swap3A_142] : memref<6400x128xf32, #tpu.memory_space<vmem>>, vector<200x128xf32>
    tpu.vector_store %arg12[%swap3A_141, %swap3A_142], %slice3A_140 {strides = array<i32>} : memref<6400x128xf32, #tpu.memory_space<vmem>>, vector<200x128xf32>,
    %slice3A_144 = vector.extract_strided_slice %mul3A_25 {offsets = [0, 3840], sizes = [200, 128], strides = [1, 1]} : vector<200x4096xf32> to vector<200x128xf32>
    %swap3A_145 = arith.constant 6000 : index
    %swap3A_146 = arith.constant 0 : index
    %swap3A_147 = vector.load %arg12[%swap3A_145, %swap3A_146] : memref<6400x128xf32, #tpu.memory_space<vmem>>, vector<200x128xf32>
    tpu.vector_store %arg12[%swap3A_145, %swap3A_146], %slice3A_144 {strides = array<i32>} : memref<6400x128xf32, #tpu.memory_space<vmem>>, vector<200x128xf32>,
    %slice3A_148 = vector.extract_strided_slice %mul3A_25 {offsets = [0, 3968], sizes = [200, 128], strides = [1, 1]} : vector<200x4096xf32> to vector<200x128xf32>
    %swap3A_149 = arith.constant 6200 : index
    %swap3A_150 = arith.constant 0 : index
    %swap3A_151 = vector.load %arg12[%swap3A_149, %swap3A_150] : memref<6400x128xf32, #tpu.memory_space<vmem>>, vector<200x128xf32>
    tpu.vector_store %arg12[%swap3A_149, %swap3A_150], %slice3A_148 {strides = array<i32>} : memref<6400x128xf32, #tpu.memory_space<vmem>>, vector<200x128xf32>,
    %get3A_152 = arith.constant 0 : index
    %get3A_153 = arith.constant 0 : index
    %get3A_154 = vector.load %arg12[%get3A_152, %get3A_153] : memref<6400x128xf32, #tpu.memory_space<vmem>>, vector<6400x128xf32>
    %dot_general3A_155 = arith.constant dense<0.000000e+00> : vector<6400x64xf32>
    %dot_general3A_156 = tpu.matmul %get3A_154, %get3A_4, %dot_general3A_155 {dimension_numbers = #tpu.dot_dimension_numbers<[1], [0], [0], [1], [0, 0, 1, 1], [], []>, transpose_lhs_hint = false} : vector<6400x128xf32>, vector<128x64xf32>, vector<6400x64xf32> -> vector<6400x64xf32>
    %add3A = vector.broadcast %get3A_10 : vector<1x64xf32> to vector<6400x64xf32>
    %add3A_157 = arith.addf %dot_general3A_156, %add3A : vector<6400x64xf32>
    %reshape3A = vector.shape_cast %add3A_157 : vector<6400x64xf32> to vector<32x200x64xf32>
    %reduce_sum3A = arith.constant dense<0.000000e+00> : vector<200x64xf32>
    %reduce_sum3A_158 = vector.multi_reduction <add>, %reshape3A, %reduce_sum3A [0] : vector<32x200x64xf32> to vector<200x64xf32>
    %max3A_159 = arith.constant 0.000000e+00 : f32
    %max3A_160 = vector.broadcast %max3A_159 : f32 to vector<32x200x64xf32>
    %max3A_161 = arith.maximumf %reshape3A, %max3A_160 : vector<32x200x64xf32>
    %reduce_sum3A_162 = arith.constant dense<0.000000e+00> : vector<200x64xf32>
    %reduce_sum3A_163 = vector.multi_reduction <add>, %max3A_161, %reduce_sum3A_162 [0] : vector<32x200x64xf32> to vector<200x64xf32>
    %dot_general3A_164 = arith.constant dense<0.000000e+00> : vector<6400x32xf32>
    %dot_general3A_165 = tpu.matmul %add3A_157, %get3A_7, %dot_general3A_164 {dimension_numbers = #tpu.dot_dimension_numbers<[1], [0], [0], [1], [0, 0, 1, 1], [], []>, transpose_lhs_hint = false} : vector<6400x64xf32>, vector<64x32xf32>, vector<6400x32xf32> -> vector<6400x32xf32>
    %add3A_166 = vector.broadcast %get3A_13 : vector<1x32xf32> to vector<6400x32xf32>
    %add3A_167 = arith.addf %dot_general3A_165, %add3A_166 : vector<6400x32xf32>
    %reshape3A_168 = vector.shape_cast %add3A_167 : vector<6400x32xf32> to vector<32x200x32xf32>
    %reduce_sum3A_169 = arith.constant dense<0.000000e+00> : vector<200x32xf32>
    %reduce_sum3A_170 = vector.multi_reduction <add>, %reshape3A_168, %reduce_sum3A_169 [0] : vector<32x200x32xf32> to vector<200x32xf32>
    %max3A_171 = arith.constant 0.000000e+00 : f32
    %max3A_172 = vector.broadcast %max3A_171 : f32 to vector<32x200x32xf32>
    %max3A_173 = arith.maximumf %reshape3A_168, %max3A_172 : vector<32x200x32xf32>
    %reduce_sum3A_174 = arith.constant dense<0.000000e+00> : vector<200x32xf32>
    %reduce_sum3A_175 = vector.multi_reduction <add>, %max3A_173, %reduce_sum3A_174 [0] : vector<32x200x32xf32> to vector<200x32xf32>
    %get3A_176 = arith.constant 0 : index
    %get3A_177 = arith.constant 0 : index
    %get3A_178 = vector.load %arg1[%get3A_176, %get3A_177] : memref<200x128xf32, #tpu.memory_space<vmem>>, vector<200x128xf32>
    %mul3A_179 = arith.mulf %get3A_178, %get3A_178 : vector<200x128xf32>
    %reduce_sum3A_180 = arith.constant dense<0.000000e+00> : vector<200xf32>
    %reduce_sum3A_181 = vector.multi_reduction <add>, %mul3A_179, %reduce_sum3A_180 [1] : vector<200x128xf32> to vector<200xf32>
    %broadcast_in_dim3A = vector.shape_cast %reduce_sum3A_181 : vector<200xf32> to vector<200x1xf32>
    %max3A_182 = arith.constant 1.000000e-24 : f32
    %max3A_183 = vector.broadcast %max3A_182 : f32 to vector<200x1xf32>
    %max3A_184 = arith.maximumf %broadcast_in_dim3A, %max3A_183 : vector<200x1xf32>
    %rsqrt3A_185 = math.rsqrt %max3A_184 : vector<200x1xf32>
    %dot_general3A_186 = arith.constant dense<0.000000e+00> : vector<200x64xf32>
    %dot_general3A_187 = tpu.matmul %get3A_178, %get3A_4, %dot_general3A_186 {dimension_numbers = #tpu.dot_dimension_numbers<[1], [0], [0], [1], [0, 0, 1, 1], [], []>, transpose_lhs_hint = false} : vector<200x128xf32>, vector<128x64xf32>, vector<200x64xf32> -> vector<200x64xf32>
    %mul3A_188 = vector.broadcast %rsqrt3A_185 : vector<200x1xf32> to vector<200x64xf32>
    %mul3A_189 = arith.mulf %dot_general3A_187, %mul3A_188 : vector<200x64xf32>
    %add3A_190 = vector.broadcast %get3A_10 : vector<1x64xf32> to vector<200x64xf32>
    %add3A_191 = arith.addf %mul3A_189, %add3A_190 : vector<200x64xf32>
    %mul3A_192 = arith.constant 0.899999976 : f32
    %mul3A_193 = vector.broadcast %mul3A_192 : f32 to vector<200x64xf32>
    %mul3A_194 = arith.mulf %mul3A_193, %reduce_sum3A_158 : vector<200x64xf32>
    %add3A_195 = arith.addf %add3A_191, %mul3A_194 : vector<200x64xf32>
    %max3A_196 = arith.constant 0.000000e+00 : f32
    %max3A_197 = vector.broadcast %max3A_196 : f32 to vector<200x64xf32>
    %max3A_198 = arith.maximumf %add3A_195, %max3A_197 : vector<200x64xf32>
    %add3A_199 = arith.addf %max3A_198, %reduce_sum3A_163 : vector<200x64xf32>
    %mul3A_200 = arith.constant 0.899999976 : f32
    %mul3A_201 = vector.broadcast %mul3A_200 : f32 to vector<200x64xf32>
    %mul3A_202 = arith.mulf %mul3A_201, %add3A_199 : vector<200x64xf32>
    %mul3A_203 = arith.constant 1.000000e-01 : f32
    %mul3A_204 = vector.broadcast %mul3A_203 : f32 to vector<200x64xf32>
    %mul3A_205 = arith.mulf %mul3A_204, %add3A_191 : vector<200x64xf32>
    %add3A_206 = arith.addf %mul3A_202, %mul3A_205 : vector<200x64xf32>
    %dot_general3A_207 = arith.constant dense<0.000000e+00> : vector<200x32xf32>
    %dot_general3A_208 = tpu.matmul %add3A_206, %get3A_7, %dot_general3A_207 {dimension_numbers = #tpu.dot_dimension_numbers<[1], [0], [0], [1], [0, 0, 1, 1], [], []>, transpose_lhs_hint = false} : vector<200x64xf32>, vector<64x32xf32>, vector<200x32xf32> -> vector<200x32xf32>
    %add3A_209 = vector.broadcast %get3A_13 : vector<1x32xf32> to vector<200x32xf32>
    %add3A_210 = arith.addf %dot_general3A_208, %add3A_209 : vector<200x32xf32>
    %mul3A_211 = arith.constant 0.899999976 : f32
    %mul3A_212 = vector.broadcast %mul3A_211 : f32 to vector<200x32xf32>
    %mul3A_213 = arith.mulf %mul3A_212, %reduce_sum3A_170 : vector<200x32xf32>
    %add3A_214 = arith.addf %add3A_210, %mul3A_213 : vector<200x32xf32>
    %max3A_215 = arith.constant 0.000000e+00 : f32
    %max3A_216 = vector.broadcast %max3A_215 : f32 to vector<200x32xf32>
    %max3A_217 = arith.maximumf %add3A_214, %max3A_216 : vector<200x32xf32>
    %add3A_218 = arith.addf %max3A_217, %reduce_sum3A_175 : vector<200x32xf32>
    %mul3A_219 = arith.constant 0.899999976 : f32
    %mul3A_220 = vector.broadcast %mul3A_219 : f32 to vector<200x32xf32>
    %mul3A_221 = arith.mulf %mul3A_220, %add3A_218 : vector<200x32xf32>
    %mul3A_222 = arith.constant 1.000000e-01 : f32
    %mul3A_223 = vector.broadcast %mul3A_222 : f32 to vector<200x32xf32>
    %mul3A_224 = arith.mulf %mul3A_223, %add3A_210 : vector<200x32xf32>
    %add3A_225 = arith.addf %mul3A_221, %mul3A_224 : vector<200x32xf32>
    %get3A_226 = arith.constant 0 : index
    %get3A_227 = arith.constant 0 : index
    %get3A_228 = vector.load %arg7[%get3A_226, %get3A_227] : memref<32x40xf32, #tpu.memory_space<vmem>>, vector<32x40xf32>
    %dot_general3A_229 = arith.constant dense<0.000000e+00> : vector<200x40xf32>
    %dot_general3A_230 = tpu.matmul %add3A_225, %get3A_228, %dot_general3A_229 {dimension_numbers = #tpu.dot_dimension_numbers<[1], [0], [0], [1], [0, 0, 1, 1], [], []>, transpose_lhs_hint = false} : vector<200x32xf32>, vector<32x40xf32>, vector<200x40xf32> -> vector<200x40xf32>
    %get3A_231 = arith.constant 0 : index
    %get3A_232 = arith.constant 0 : index
    %get3A_233 = vector.load %arg8[%get3A_231, %get3A_232] : memref<1x40xf32, #tpu.memory_space<vmem>>, vector<1x40xf32>
    %add3A_234 = vector.broadcast %get3A_233 : vector<1x40xf32> to vector<200x40xf32>
    %add3A_235 = arith.addf %dot_general3A_230, %add3A_234 : vector<200x40xf32>
    %swap3A_236 = arith.constant 0 : index
    %swap3A_237 = arith.constant 0 : index
    %swap3A_238 = vector.load %arg11[%swap3A_236, %swap3A_237] : memref<200x40xf32, #tpu.memory_space<vmem>>, vector<200x40xf32>
    tpu.vector_store %arg11[%swap3A_236, %swap3A_237], %add3A_235 {strides = array<i32>} : memref<200x40xf32, #tpu.memory_space<vmem>>, vector<200x40xf32>,
    return
  }
  func.func @transform_0(%arg0: i32) -> (i32, i32) {
    %c0_i32 = arith.constant 0 : i32
    %c0_i32_0 = arith.constant 0 : i32
    return %arg0, %c0_i32 : i32, i32
  }
  func.func @transform_1(%arg0: i32) -> (i32, i32) {
    %c0_i32 = arith.constant 0 : i32
    %c0_i32_0 = arith.constant 0 : i32
    return %arg0, %c0_i32 : i32, i32
  }
  func.func @transform_2(%arg0: i32) -> (i32, i32) {
    %c0_i32 = arith.constant 0 : i32
    %c0_i32_0 = arith.constant 0 : i32
    %c0_i32_1 = arith.constant 0 : i32
    return %c0_i32, %c0_i32_0 : i32, i32
  }
  func.func @transform_3(%arg0: i32) -> (i32, i32) {
    %c0_i32 = arith.constant 0 : i32
    %c0_i32_0 = arith.constant 0 : i32
    %c0_i32_1 = arith.constant 0 : i32
    return %c0_i32, %c0_i32_0 : i32, i32
  }
  func.func @transform_4(%arg0: i32) -> (i32, i32) {
    %c0_i32 = arith.constant 0 : i32
    %c0_i32_0 = arith.constant 0 : i32
    %c0_i32_1 = arith.constant 0 : i32
    return %c0_i32, %c0_i32_0 : i32, i32
  }
  func.func @transform_5(%arg0: i32) -> (i32, i32) {
    %c0_i32 = arith.constant 0 : i32
    %c0_i32_0 = arith.constant 0 : i32
    %c0_i32_1 = arith.constant 0 : i32
    return %c0_i32, %c0_i32_0 : i32, i32
  }
  func.func @transform_6(%arg0: i32) -> (i32, i32) {
    %c0_i32 = arith.constant 0 : i32
    %c0_i32_0 = arith.constant 0 : i32
    %c0_i32_1 = arith.constant 0 : i32
    return %c0_i32, %c0_i32_0 : i32, i32
  }
  func.func @transform_7(%arg0: i32) -> (i32, i32) {
    %c0_i32 = arith.constant 0 : i32
    %c0_i32_0 = arith.constant 0 : i32
    %c0_i32_1 = arith.constant 0 : i32
    return %c0_i32, %c0_i32_0 : i32, i32
  }
  func.func @transform_8(%arg0: i32) -> (i32, i32) {
    %c0_i32 = arith.constant 0 : i32
    %c0_i32_0 = arith.constant 0 : i32
    %c0_i32_1 = arith.constant 0 : i32
    return %c0_i32, %c0_i32_0 : i32, i32
  }
  func.func @transform_9(%arg0: i32) -> (i32, i32) {
    %c0_i32 = arith.constant 0 : i32
    %c0_i32_0 = arith.constant 0 : i32
    %c0_i32_1 = arith.constant 0 : i32
    return %c0_i32, %c0_i32_0 : i32, i32
  }
  func.func @transform_10(%arg0: i32) -> (i32, i32) {
    %c0_i32 = arith.constant 0 : i32
    %c0_i32_0 = arith.constant 0 : i32
    return %arg0, %c0_i32 : i32, i32
  }
}

</mosaic_0001>

<sc_bundles>
// kernel: sparse-core-data-format-call.cloned.1.call-start
scs
called_computation_lowered:
.L_overlay_start_0:
0x0: {  	s2 =	sld [smem:$0x3FD9]  }
0x1: {  	s3 =	sld [smem:$0x3FFE];
	_ =	sdelay $0x1  }
0x2: {  	s1 =	srdreg.scid  }
0x3: {  	s0 =	sand.u32 $0x1, s1  }
0x4: {  	s18 =	sshll.u32 s0, $0xA;
	s2 =	sadd.s32 s3, s2  }
0x5: {  	s2 =	sadd.s32 s2, s18  }
0x6: {  	[smem:$0x3FC0] =	sst s2  }
0x7: {  	_ = 	snop  }
0x8: {  	s2 =	sld [smem:$0x3FC8];
	(tm) =	ssettm $0x1  }
0x9: {  	s19 =	sld [smem:$0x3FFB];
	_ =	sdelay $0x3  }
0xa: {  	_ =	strace s19  }
0xb: {  	s3 =	sld [smem:$0x3FFC];
	_ =	sdelay $0x3  }
0xc: {  	_ =	strace s3  }
0xd: {  	s3 =	sld [smem:$0x3FFD];
	_ =	sdelay $0x3  }
0xe: {  	_ =	strace s3  }
0xf: {  	_ =	strace $0x8FFFFFFF  }
0x10: {  	s20 =	sld [smem:$0x3FDB];
	_ =	sdelay $0x1  }
0x11: {  	s4 =	simm.s32 $_scs_section_size  }
0x12: {  	s5 =	simm.s32 $_size__tile_overlayer_lowered;
	s6 =	simm.s32 $_tile_overlayer_lowered  }
0x13: {  	s23 =	simm.s32 $0x1BFF;
	s22 =	sshll.u32 s6, $0x1;
	s3 =	sadd.s32 s4, s20  }
0x14: {  	s7 =	simm.s32 $0x0;
	s21 =	sshll.u32 s5, $0x1;
	s5 =	sadd.s32 s22, s3  }
0x15: {  	[timem:s7], [sflag:s23] =	dma.local [hbm:s5], s21  }
0x16: {  	_ =	swait.ge [sflag:s23], s21  }
0x17: {  	s4 =	ssub.s32 $0x0, s21;
	[sflag:s23] =	ssyncset.done $0x0  }
0x18: {  	[sflag:s23] =	ssyncadd.s32 s4;
	_ =	sdelay $0x1  }
0x19: {  	s24 =	simm.s32 $0x1B8B  }
0x1a: {  	_ =	swait.ge [sflag:s24], $0x1  }
0x1b: {  	[sflag:s24] =	ssyncset.done $0x0  }
0x1c: {  	s26 =	simm.s32 $0x1B8E;
	s25 =	sld [smem:$0x3FFE];
	[sflag:s24] =	ssyncadd.s32 $0xFFFFFFFF  }
0x1d: {  	s27 =	simm.s32 $execute0_lowered;
	[smem:$0x3FD2] =	sst s26  }
0x1e: {  	s5 =	sshll.u32 s27, $0x1;
	_ =	strace $0x80000046;
	[dreg:$0x1] =	wrdreg $0xFFFFFFFF  }
0x1f: {  	s28 =	simm.s32 $_size_execute0_lowered;
	s3 =	sadd.s32 s3, s5;
	[dreg:$0x0] =	wrdreg $0x0  }
0x20: {  	s5 =	sshll.u32 s28, $0x1;
	[dreg:$0x2] =	wrdreg s3  }
0x21: {  	[dreg:$0x3] =	wrdreg s5  }
0x22: {  	[dreg:$0x4] =	wrdreg $0xC0  }
0x23: {  	_ =	task [dreg:s7], $0x5FFFF  }
0x24: {  	[dreg:$0x1] =	wrdreg $0xFFFFFFFF  }
0x25: {  	[dreg:$0x0] =	wrdreg $0x60  }
0x26: {  	[dreg:$0x2] =	wrdreg s2  }
0x27: {  	[dreg:$0x3] =	wrdreg s25  }
0x28: {  	[dreg:$0x4] =	wrdreg $0x9  }
0x29: {  	_ =	task.clear_ibuf [dreg:s7], $0x5FFFF;
	_ =	strace $0x90000046  }
0x2a: {  	s29 =	simm.s32 $0x9;
	_ =	strace $0x80000048  }
0x2b: {  	_ =	swait.ge [sflag:s29], $0x1  }
0x2c: {  	[sflag:s29] =	ssyncadd.s32 $0xFFFFFFFF  }
0x2d: {  	_ =	strace $0x90000048  }
0x2e: {  	_ =	sfence  }
0x2f: {  	s30 =	sld [smem:$0x0];
	_ =	sdelay $0x2  }
0x30: {  	s31 =	sshll.u32 s1, $0xD;
	s1 =	sshrl.u32 s1, $0x2  }
0x31: {  	s3 =	sand.u32 $0x4000, s31;
	s1 =	sadd.s32 s1, s30  }
0x32: {  	s0 =	sor.u32 s3, s0;
	s1 =	sshll.u32 s1, $0x11  }
0x33: {  	s0 =	sor.u32 s1, s0  }
0x34: {  	s0 =	sadd.s32 $0x8F2B, s0  }
0x35: {  	[sflag:s0] =	ssyncadd.remote.s32 $0x1  }
0x36: {  	_ =	sfence.sel $0xFFFF  }
0x37: {  	[dreg:$0x0] =	wrdreg $0xFFFFFFFF;
	(pc) =	sbr.abs _section_cstart, $3  }
0x38: {  	[dreg:$0x1] =	wrdreg $0xFFFFFFFF  }
0x39: {  	_ =	task.clear_ibuf [dreg:s7], $0x2FFFF;
	_ =	strace $0x9FFFFFFF  }
0x3a: {  	(tm) =	ssettm $0x7FFFFFFF  }
0x3b: {  	_ =	shalt  }
tec
execute0_lowered:
.L_overlay_start_1:
0x0: {  	(tag) =	ssettag $0x1  }
0x1: {  	s0 =	srdreg.scid;
	s6 =	rddreg [dreg:$0x0]  }
0x2: {  	s5 =	rddreg [dreg:$0x1];
	s1 =	stileid.u32;
	s30 =	simm.s32 $0x2  }
0x3: {  	s13 =	simm.s32 $0x0;
	s9 =	simm.s32 $0x400;
	s0 =	sshll.u32 s0, $0x2  }
0x4: {  	s10 =	simm.s32 $0x0;
	s14 =	simm.s32 $0x0;
	s2 =	sand.u32 $0x4, s0  }
0x5: {  	s11 =	stileid.u32;
	s12 =	simm.s32 $0x0;
	s3 =	ssub.s32 $0x8, s2  }
0x6: {  	s7 =	ssub.s32 $0x4F1, s1;
	s0 =	rddreg [dreg:$0x2];
	s4 =	sshrl.u32 s3, $0x2  }
.Ltmp0:
0x7: {  	s8 =	sshrl.u32 s3, $0x3;
	s4 =	sand.u32 $0x1, s4;
	(pc) =	sbr.rel .LBB1_1-.Ltmp0, $4  }
0x8: {  	_ =	strace $0x80000047;
	s7 =	sshrl.u32 s7, $0x4;
	s4 =	sadd.s32 s8, s4  }
0x9: {  	s31 =	sshll.u32 s2, $0x9;
	s3 =	simm.s32 $0x1;
	s4 =	smul.u32 s7, s4  }
0xa: {  	s5 =	sadd.s32 $0x1600, s5;
	s6 =	sadd.s32 s6, s31;
	[sflag:s3] =	ssyncpa.u1 $0x0  }
0xb: {  	[sflag:s30] =	ssyncpa.u1 $0x0;
	s8 =	simm.s32 $0x200;
	s7 =	sadd.s32 $0x1, s4  }
.LBB1_7:
0xc: {  	s15 =	sadd.s32 $0x10, s11  }
0xd: {  	p1 =	sgt.s32 s15, $0x4E1  }
0xe: {  	s15 =	smov.u32 @p1 s1;
	p1 =	sne.s32 s12, s7  }
.Ltmp1:
0xf: {  	p0 =	slt.u32 s12, $0x2;
	(pc) =	sbr.rel @!p1 .LBB1_8-.Ltmp1, $4  }
0x10: {  	s13 =	simm.s32 @!p0 $0x2  }
0x11: {  	s16 =	sadd.s32 $0x1, s12;
	s14 =	smov.u32 s11;
	_ =	swait.ge @!p0 [sflag:s13], $0x4000  }
0x12: {  	s10 =	sadd.s32 $0x4000, s10;
	s12 =	smov.u32 s16;
	[sflag:s13] =	ssyncset.done @!p0 $0x0  }
0x13: {  	s11 =	smov.u32 s15;
	[sflag:s13] =	ssyncadd.s32 @!p0 $0xFFFFC000;
	s13 =	smov.u32 s2  }
.LBB1_1:
0x14: {  	p0 =	sge.u32 s12, s4  }
0x15: {  	s15 =	sxor.u32 @!p0 $0xFFFFFFFF, s12  }
0x16: {  	s31 =	sadd.s32 $0xFFFFFFFF, s12;
	s16 =	sshll.u32 @!p0 s11, $0xC;
	s15 =	sshll.u32 @!p0 s15, $0xE  }
0x17: {  	s17 =	simm.s32 @!p0 $0x0;
	s16 =	sadd.s32 @!p0 s16, s6;
	s15 =	sand.u32 @!p0 $0x4000, s15  }
0x18: {  	[tilespmem:s15], [sflag:$0x1] =	stream.linear.gather @!p0 [hbm4b:s16+s17], $0x4000, $0x38;
	[tilespmem:$0x10000] =	vst v63  }
0x19: {  	p0 =	sge.u32 s31, s4  }
.Ltmp2:
0x1a: {  	_ = 	snop;
	(pc) =	sbr.rel @p0 .LBB1_7-.Ltmp2, $1  }
0x1b: {  	_ =	sdelay $0x3  }
0x1c: {  	s16 =	sand.u32 $0x4000, s10  }
0x1d: {  	_ =	swait.ge [sflag:s3], $0x4000;
	s18 =	sshll.u32 s12, $0xE;
	s15 =	sor.u32 $0x8040, s16  }
0x1e: {  	s17 =	sor.u32 $0x40, s16;
	[sflag:s3] =	ssyncset.done $0x0;
	s31 =	sand.u32 $0x4000, s18  }
0x1f: {  	s18 =	simm.s32 $0x0;
	[sflag:s3] =	ssyncadd.s32 $0xFFFFC000;
	s16 =	sor.u32 $0x8000, s31  }
.LBB1_3:
0x20: {  	v0 =	vmov s17;
	_ =	sdelay $0x3  }
0x21: {  	s20 =	simm.s32 $0x0  }
0x22: {  	v6 =	vld.idx.msk [tilespmem:v0+s20+$0x30 ss:$0x1], $0xffff  }
0x23: {  	v7 =	vld.idx.msk [tilespmem:v0+s20+$0xFFFFFFC0 ss:$0x1], $0xffff  }
0x24: {  	v5 =	vld.idx.msk [tilespmem:v0+s20+$0xFFFFFFD0 ss:$0x1], $0xffff  }
0x25: {  	v4 =	vld.idx.msk [tilespmem:v0+s20+$0xFFFFFFE0 ss:$0x1], $0xffff  }
0x26: {  	v3 =	vld.idx.msk [tilespmem:v0+s20+$0xFFFFFFF0 ss:$0x1], $0xffff  }
0x27: {  	v1 =	vld.idx.msk [tilespmem:v0+s20+$0x0 ss:$0x1], $0xffff  }
0x28: {  	v2 =	vld.idx.msk [tilespmem:v0+s20+$0x10 ss:$0x1], $0xffff;
	[tilespmem:s15+$0x30] =	vst v6  }
0x29: {  	s19 =	simm.s32 $0x80;
	s21 =	simm.s32 $0x400;
	[tilespmem:s15+$0xFFFFFFC0] =	vst v7;
	v6 =	vld.idx.msk [tilespmem:v0+s20+$0x20 ss:$0x1], $0xffff;
	s20 =	smov.u32 s15  }
.LBB1_4:
0x2a: {  	p0 =	sne.s32 s21, $0x3E00;
	v7 =	vld.idx.msk [tilespmem:v0+s19+$0x30 ss:$0x1], $0xffff;
	[tilespmem:s20+$0xFFFFFFD0] =	vst v5  }
0x2b: {  	v8 =	vld.idx.msk [tilespmem:v0+s19+$0xFFFFFFC0 ss:$0x1], $0xffff;
	[tilespmem:s20+$0xFFFFFFE0] =	vst v4  }
0x2c: {  	v5 =	vld.idx.msk [tilespmem:v0+s19+$0xFFFFFFD0 ss:$0x1], $0xffff;
	[tilespmem:s20+$0xFFFFFFF0] =	vst v3  }
.Ltmp3:
0x2d: {  	v4 =	vld.idx.msk [tilespmem:v0+s19+$0xFFFFFFE0 ss:$0x1], $0xffff;
	[tilespmem:s20+$0x0] =	vst v1;
	(pc) =	sbr.rel @p0 .LBB1_4-.Ltmp3, $4  }
0x2e: {  	v3 =	vld.idx.msk [tilespmem:v0+s19+$0xFFFFFFF0 ss:$0x1], $0xffff;
	[tilespmem:s20+$0x10] =	vst v2  }
0x2f: {  	v1 =	vld.idx.msk [tilespmem:v0+s19+$0x0 ss:$0x1], $0xffff;
	[tilespmem:s20+$0x20] =	vst v6;
	s20 =	sadd.s32 $0x200, s20  }
0x30: {  	v2 =	vld.idx.msk [tilespmem:v0+s19+$0x10 ss:$0x1], $0xffff;
	[tilespmem:s20+$0x30] =	vst v7  }
0x31: {  	[tilespmem:s20+$0xFFFFFFC0] =	vst v8;
	v6 =	vld.idx.msk [tilespmem:v0+s19+$0x20 ss:$0x1], $0xffff;
	s19 =	sshra.s32 s21, $0x2;
	s21 =	sadd.s32 $0x200, s21  }
0x32: {  	_ =	sdelay $0x2  }
0x33: {  	[tilespmem:s20+$0xFFFFFFD0] =	vst v5  }
0x34: {  	v56 =	vld.idx.msk [tilespmem:v0+s19+$0x30 ss:$0x1], $0xffff;
	[tilespmem:s20+$0xFFFFFFE0] =	vst v4  }
0x35: {  	v57 =	vld.idx.msk [tilespmem:v0+s19+$0xFFFFFFC0 ss:$0x1], $0xffff;
	[tilespmem:s20+$0xFFFFFFF0] =	vst v3  }
0x36: {  	v58 =	vld.idx.msk [tilespmem:v0+s19+$0xFFFFFFD0 ss:$0x1], $0xffff;
	[tilespmem:s20+$0x0] =	vst v1  }
0x37: {  	v59 =	vld.idx.msk [tilespmem:v0+s19+$0xFFFFFFE0 ss:$0x1], $0xffff;
	[tilespmem:s20+$0x10] =	vst v2  }
0x38: {  	v60 =	vld.idx.msk [tilespmem:v0+s19+$0xFFFFFFF0 ss:$0x1], $0xffff;
	s31 =	sadd.s32 $0x200, s20;
	[tilespmem:s20+$0x20] =	vst v6  }
0x39: {  	v61 =	vld.idx.msk [tilespmem:v0+s19+$0x0 ss:$0x1], $0xffff;
	[tilespmem:s31+$0x30] =	vst v56  }
0x3a: {  	v62 =	vld.idx.msk [tilespmem:v0+s19+$0x10 ss:$0x1], $0xffff;
	s18 =	sadd.s32 $0x1, s18;
	[tilespmem:s31+$0xFFFFFFC0] =	vst v57  }
0x3b: {  	v63 =	vld.idx.msk [tilespmem:v0+s19+$0x20 ss:$0x1], $0xffff;
	p0 =	sne.s32 s18, $0x4;
	[tilespmem:s31+$0xFFFFFFD0] =	vst v58  }
.Ltmp4:
0x3c: {  	[tilespmem:s31+$0xFFFFFFE0] =	vst v59;
	(pc) =	sbr.rel @p0 .LBB1_3-.Ltmp4, $4  }
0x3d: {  	[tilespmem:s31+$0xFFFFFFF0] =	vst v60  }
0x3e: {  	[tilespmem:s31+$0x0] =	vst v61  }
0x3f: {  	[tilespmem:s31+$0x10] =	vst v62  }
0x40: {  	s15 =	sadd.s32 $0x80, s15;
	s17 =	sadd.s32 $0x1000, s17;
	[tilespmem:s31+$0x20] =	vst v63  }
.Ltmp5:
0x41: {  	(pc) =	sbr.rel .LBB1_7-.Ltmp5, $4  }
0x42: {  	s14 =	sshll.u32 s14, $0xC  }
0x43: {  	s13 =	sshll.u32 s13, $0x4;
	s14 =	sadd.s32 s5, s14  }
0x44: {  	s13 =	sadd.s32 s13, s14  }
0x45: {  	[hbm4b:s13+s8] =	stream.strided.scatter [tilespmem:s16], [sflag:$0x2], $0x4000, s9, s8, $0x38;
	[tilespmem:$0x10000] =	vst v63  }
.LBB1_8:
0x46: {  	_ =	sfence.sel $0x180000  }
0x47: {  	s2 =	simm.s32 $0x1;
	[bflag:$0x0] =	sbarrier.arrive $0xFFFF  }
0x48: {  	s31 =	simm.s32 $0x2;
	[sflag:s2] =	ssyncpa.u1 $0x1  }
0x49: {  	[sflag:s31] =	ssyncpa.u1 $0x1  }
0x4a: {  	p0 =	sne.s32 s1, $0x0;
	_ =	strace $0x90000047  }
0x4b: {  	s0 =	sadd.s32 @!p0 $0x100000, s0;
	[bflag:$0x2] =	sbarrier.arrive $0xFFFF  }
0x4c: {  	[sflag:s0] =	ssyncadd.tile.s32 @!p0 $0x1;
	_ =	shalt  }
.Lfunc_end1:
_tile_overlayer_lowered:
.L_overlay_start_2:
0x4d: {  	(tag) =	ssettag $0x2  }
0x4e: {  	s0 =	rddreg [dreg:$0x0];
	s2 =	stileid.u32  }
0x4f: {  	s1 =	rddreg [dreg:$0x1];
	p0 =	sne.s32 s2, $0x0  }
0x50: {  	s3 =	rddreg [dreg:$0x2];
	[bflag:$0x3] =	sbarrier.arrive $0xFFFF;
	s2 =	simm.s32 @!p0 $0x1C01  }
0x51: {  	[timem:s3], [sflag:s2] =	dma.local @!p0 [hbm:s0], s1  }
0x52: {  	s0 =	simm.s32 @!p0 $0x1  }
0x53: {  	_ =	swait.ge @!p0 [sflag:s0], s1  }
0x54: {  	s1 =	ssub.s32 @!p0 $0x0, s1;
	[sflag:s0] =	ssyncset.done @!p0 $0x0  }
0x55: {  	[sflag:s0] =	ssyncadd.s32 @!p0 s1  }
0x56: {  	[bflag:$0x3] =	sbarrier.arrive $0xFFFF  }
0x57: {  	_ =	shalt  }

</sc_bundles>
